<compile_context>
chip_gen: v7x
topology: tpu7x:2x2x1
jax: 0.10.2.dev20260603
libtpu: 0.0.44.dev20260713+nightly
codegen_flags: <defaults>
</compile_context>

<pallas_src>
import functools

import jax
import jax.numpy as jnp
from jax import lax
from jax.experimental import pallas as pl
from jax.experimental.pallas import tpu as pltpu
from jax.experimental.pallas import tpu_sc as plsc

VOCAB = 1000000
EMBED = 32

NC = 2
NS = 16
NW = NC * NS
B_TOTAL = 4096 * 200
ROWS_PW = B_TOTAL // NW
IPS = 128
K = 10
RPB = K * IPS
NBLK = ROWS_PW // RPB
NROWCH = ROWS_PW // IPS


@functools.partial(
    pl.kernel,
    out_type=jax.ShapeDtypeStruct((B_TOTAL, EMBED), jnp.float32),
    mesh=plsc.VectorSubcoreMesh(core_axis_name="c", subcore_axis_name="s"),
    scratch_types=[
        pltpu.VMEM((NROWCH, IPS), jnp.int32),
        pltpu.VMEM((RPB, EMBED), jnp.float32),
        pltpu.SemaphoreType.DMA,
    ],
    compiler_params=pltpu.CompilerParams(use_tc_tiling_on_sc=False),
)
def _emb_lookup(x_hbm, table_hbm, out_hbm, idx_v, rows_v, gsem):
    wid = lax.axis_index("s") * NC + lax.axis_index("c")
    pltpu.sync_copy(x_hbm.at[wid], idx_v)
    out_base = wid * ROWS_PW

    def blk_body(blk, carry):
        descs = [
            pltpu.async_copy(
                table_hbm.at[idx_v.at[blk * K + j]],
                rows_v.at[pl.ds(j * IPS, IPS)],
                gsem,
            )
            for j in range(K)
        ]
        for d in descs:
            d.wait()
        pltpu.sync_copy(rows_v, out_hbm.at[pl.ds(out_base + blk * RPB, RPB)])
        return carry

    lax.fori_loop(0, NBLK, blk_body, 0)


def kernel(x, table):
    x_r = x.reshape(NW, NROWCH, IPS).astype(jnp.int32)
    out = _emb_lookup(x_r, table)
    return out.reshape(x.shape[0], x.shape[1], EMBED)

# --- scband reference (transcript-rebuilt; emitter-appended) ---
"""Pipeline reference for scband-embedding-layer-61813169324053 (READ-ONLY COPY).

The authoritative reference and input builder live on the scoring server;
editing this copy changes nothing except your own understanding.
"""

import jax, jax.numpy as jnp
import numpy as np

PAD_IDX = 0  # SPECIAL_TOKENS_2_INDEX['<pad>'] assumed to be 0
VOCAB = 1000000
EMBED = 32

def setup_inputs(seed: int = 0) -> dict:
    key = jax.random.key(seed)
    k1, k2 = jax.random.split(key)
    x = jax.random.randint(k1, (4096, 200), 0, VOCAB, dtype=jnp.int64) if jax.config.read('jax_enable_x64') else jax.random.randint(k1, (4096, 200), 0, VOCAB, dtype=jnp.int32)
    table = (jax.random.normal(k2, (VOCAB, EMBED), dtype=jnp.float32) * (1.0 / np.sqrt(EMBED))).astype(jnp.float32)
    # padding_idx row is initialized to zero, matching nn.Embedding(padding_idx=...)
    table = table.at[PAD_IDX].set(0.0)
    return {"x": x, "table": table}

def reference(x, table):
    # nn.Embedding forward: gather rows of the weight table by index
    return jnp.take(table, x, axis=0)

if __name__ == "__main__":
    import jax
    _d = setup_inputs()
    print(jax.jit(kernel)(*tuple(_d.values())))

</pallas_src>

<mosaic_0001>
#map = affine_map<(d0, d1) -> (0, 0, 0)>
#map1 = affine_map<(d0, d1) -> (0, 0)>
module attributes {stable_mosaic.version = 14 : i64} {
  func.func @_emb_lookup(%arg0: i32, %arg1: i32, %arg2: memref<32x200x128xi32, #tpu.memory_space<hbm>>, %arg3: memref<1000000x32xf32, #tpu.memory_space<hbm>>, %arg4: memref<819200x32xf32, #tpu.memory_space<hbm>>, %arg5: memref<200x128xi32, #tpu.memory_space<vmem>>, %arg6: memref<1280x32xf32, #tpu.memory_space<vmem>>, %arg7: memref<!tpu.dma_semaphore, #tpu.memory_space<semaphore_mem>>) attributes {dimension_semantics = [#tpu.dimension_semantics<core_parallel>, #tpu.dimension_semantics<subcore_parallel>], iteration_bounds = array<i64: 2, 16>, scalar_prefetch = 0 : i64, scratch_operands = 3 : i64, tpu.core_type = #tpu.core_type<sc_vector_subcore>, window_params = [{transform_indices = #map}, {transform_indices = #map1}, {transform_indices = #map1}]} {
    %mul3A = arith.constant 2 : i32
    %mul3A_0 = arith.muli %arg1, %mul3A : i32
    %add3A = arith.addi %mul3A_0, %arg0 : i32
    "tpu.region"() ({
      %run_scoped3A = tpu.sem_alloc : memref<!tpu.dma_semaphore, #tpu.memory_space<semaphore_mem>>
      %dma_start3A = arith.constant 0 : i32
      %dma_start3A_8 = arith.constant 0 : i32
      %dma_start3A_9 = tpu.memref_slice %arg2[%add3A, %dma_start3A, %dma_start3A_8] : memref<32x200x128xi32, #tpu.memory_space<hbm>> -> memref<1x200x128xi32, #tpu.memory_space<hbm>>
      %dma_start3A_10 = tpu.memref_squeeze %dma_start3A_9 : memref<1x200x128xi32, #tpu.memory_space<hbm>> -> memref<200x128xi32, #tpu.memory_space<hbm>>
      %dma_start3A_11 = arith.constant 0 : i32
      %dma_start3A_12 = arith.constant 0 : i32
      %dma_start3A_13 = tpu.memref_slice %arg2[%add3A, %dma_start3A_11, %dma_start3A_12] : memref<32x200x128xi32, #tpu.memory_space<hbm>> -> memref<1x200x128xi32, #tpu.memory_space<hbm>>
      %dma_start3A_14 = tpu.memref_squeeze %dma_start3A_13 : memref<1x200x128xi32, #tpu.memory_space<hbm>> -> memref<200x128xi32, #tpu.memory_space<hbm>>
      tpu.enqueue_dma source(%dma_start3A_14 : memref<200x128xi32, #tpu.memory_space<hbm>>) target(%arg5 : memref<200x128xi32, #tpu.memory_space<vmem>>) target_semaphore(%run_scoped3A : memref<!tpu.dma_semaphore, #tpu.memory_space<semaphore_mem>>)
      %dma_wait3A = arith.constant 0 : i32
      %dma_wait3A_15 = arith.constant 0 : i32
      %dma_wait3A_16 = tpu.memref_slice %arg2[%add3A, %dma_wait3A, %dma_wait3A_15] : memref<32x200x128xi32, #tpu.memory_space<hbm>> -> memref<1x200x128xi32, #tpu.memory_space<hbm>>
      %dma_wait3A_17 = tpu.memref_squeeze %dma_wait3A_16 : memref<1x200x128xi32, #tpu.memory_space<hbm>> -> memref<200x128xi32, #tpu.memory_space<hbm>>
      %dma_wait3A_18 = arith.constant 0 : i32
      %dma_wait3A_19 = arith.constant 0 : i32
      %dma_wait3A_20 = tpu.memref_slice %arg2[%add3A, %dma_wait3A_18, %dma_wait3A_19] : memref<32x200x128xi32, #tpu.memory_space<hbm>> -> memref<1x200x128xi32, #tpu.memory_space<hbm>>
      %dma_wait3A_21 = tpu.memref_squeeze %dma_wait3A_20 : memref<1x200x128xi32, #tpu.memory_space<hbm>> -> memref<200x128xi32, #tpu.memory_space<hbm>>
      tpu.wait_dma2 semaphore(%run_scoped3A : memref<!tpu.dma_semaphore, #tpu.memory_space<semaphore_mem>>) src(%dma_wait3A_21 : memref<200x128xi32, #tpu.memory_space<hbm>>) dst(%arg5 : memref<200x128xi32, #tpu.memory_space<vmem>>)
      tpu.yield
    }) : () -> ()
    %mul3A_1 = arith.constant 25600 : i32
    %mul3A_2 = arith.muli %add3A, %mul3A_1 : i32
    %scan3A = arith.constant 0 : i32
    %scan3A_3 = arith.constant 0 : i32
    %scan3A_4 = arith.constant 20 : i32
    %scan3A_5 = arith.addi %scan3A_3, %scan3A_4 : i32
    %scan3A_6 = arith.constant 1 : i32
    scf.for %scan3A_8 = %scan3A_3 to %scan3A_5 step %scan3A_6  : i32 {
      %mul3A_9 = arith.constant 10 : i32
      %mul3A_10 = arith.muli %scan3A_8, %mul3A_9 : i32
      %add3A_11 = arith.constant 0 : i32
      %add3A_12 = arith.addi %mul3A_10, %add3A_11 : i32
      %dma_start3A = arith.constant 0 : i32
      %dma_start3A_13 = arith.constant 0 : i32
      %dma_start3A_14 = tpu.memref_slice %arg6[%dma_start3A, %dma_start3A_13] : memref<1280x32xf32, #tpu.memory_space<vmem>> -> memref<128x32xf32, #tpu.memory_space<vmem>>
      %dma_start3A_15 = arith.constant 0 : i32
      %dma_start3A_16 = tpu.memref_slice %arg5[%add3A_12, %dma_start3A_15] : memref<200x128xi32, #tpu.memory_space<vmem>> -> memref<1x128xi32, #tpu.memory_space<vmem>>
      %dma_start3A_17 = tpu.memref_squeeze %dma_start3A_16 : memref<1x128xi32, #tpu.memory_space<vmem>> -> memref<128xi32, #tpu.memory_space<vmem>>
      %dma_start3A_18 = arith.constant 0 : i32
      %dma_start3A_19 = arith.constant 0 : i32
      %dma_start3A_20 = tpu.memref_slice %arg3[%dma_start3A_18, %dma_start3A_19] : memref<1000000x32xf32, #tpu.memory_space<hbm>> -> memref<1000000x32xf32, #tpu.memory_space<hbm>>
      tpu.enqueue_indirect_dma source(%dma_start3A_20 : memref<1000000x32xf32, #tpu.memory_space<hbm>>) target(%dma_start3A_14 : memref<128x32xf32, #tpu.memory_space<vmem>>) offsets(%dma_start3A_17 : memref<128xi32, #tpu.memory_space<vmem>>) semaphore(%arg7 : memref<!tpu.dma_semaphore, #tpu.memory_space<semaphore_mem>>)
      %mul3A_21 = arith.constant 10 : i32
      %mul3A_22 = arith.muli %scan3A_8, %mul3A_21 : i32
      %add3A_23 = arith.constant 1 : i32
      %add3A_24 = arith.addi %mul3A_22, %add3A_23 : i32
      %dma_start3A_25 = arith.constant 128 : i32
      %dma_start3A_26 = arith.constant 0 : i32
      %dma_start3A_27 = tpu.memref_slice %arg6[%dma_start3A_25, %dma_start3A_26] : memref<1280x32xf32, #tpu.memory_space<vmem>> -> memref<128x32xf32, #tpu.memory_space<vmem>>
      %dma_start3A_28 = arith.constant 0 : i32
      %dma_start3A_29 = tpu.memref_slice %arg5[%add3A_24, %dma_start3A_28] : memref<200x128xi32, #tpu.memory_space<vmem>> -> memref<1x128xi32, #tpu.memory_space<vmem>>
      %dma_start3A_30 = tpu.memref_squeeze %dma_start3A_29 : memref<1x128xi32, #tpu.memory_space<vmem>> -> memref<128xi32, #tpu.memory_space<vmem>>
      %dma_start3A_31 = arith.constant 0 : i32
      %dma_start3A_32 = arith.constant 0 : i32
      %dma_start3A_33 = tpu.memref_slice %arg3[%dma_start3A_31, %dma_start3A_32] : memref<1000000x32xf32, #tpu.memory_space<hbm>> -> memref<1000000x32xf32, #tpu.memory_space<hbm>>
      tpu.enqueue_indirect_dma source(%dma_start3A_33 : memref<1000000x32xf32, #tpu.memory_space<hbm>>) target(%dma_start3A_27 : memref<128x32xf32, #tpu.memory_space<vmem>>) offsets(%dma_start3A_30 : memref<128xi32, #tpu.memory_space<vmem>>) semaphore(%arg7 : memref<!tpu.dma_semaphore, #tpu.memory_space<semaphore_mem>>)
      %mul3A_34 = arith.constant 10 : i32
      %mul3A_35 = arith.muli %scan3A_8, %mul3A_34 : i32
      %add3A_36 = arith.constant 2 : i32
      %add3A_37 = arith.addi %mul3A_35, %add3A_36 : i32
      %dma_start3A_38 = arith.constant 256 : i32
      %dma_start3A_39 = arith.constant 0 : i32
      %dma_start3A_40 = tpu.memref_slice %arg6[%dma_start3A_38, %dma_start3A_39] : memref<1280x32xf32, #tpu.memory_space<vmem>> -> memref<128x32xf32, #tpu.memory_space<vmem>>
      %dma_start3A_41 = arith.constant 0 : i32
      %dma_start3A_42 = tpu.memref_slice %arg5[%add3A_37, %dma_start3A_41] : memref<200x128xi32, #tpu.memory_space<vmem>> -> memref<1x128xi32, #tpu.memory_space<vmem>>
      %dma_start3A_43 = tpu.memref_squeeze %dma_start3A_42 : memref<1x128xi32, #tpu.memory_space<vmem>> -> memref<128xi32, #tpu.memory_space<vmem>>
      %dma_start3A_44 = arith.constant 0 : i32
      %dma_start3A_45 = arith.constant 0 : i32
      %dma_start3A_46 = tpu.memref_slice %arg3[%dma_start3A_44, %dma_start3A_45] : memref<1000000x32xf32, #tpu.memory_space<hbm>> -> memref<1000000x32xf32, #tpu.memory_space<hbm>>
      tpu.enqueue_indirect_dma source(%dma_start3A_46 : memref<1000000x32xf32, #tpu.memory_space<hbm>>) target(%dma_start3A_40 : memref<128x32xf32, #tpu.memory_space<vmem>>) offsets(%dma_start3A_43 : memref<128xi32, #tpu.memory_space<vmem>>) semaphore(%arg7 : memref<!tpu.dma_semaphore, #tpu.memory_space<semaphore_mem>>)
      %mul3A_47 = arith.constant 10 : i32
      %mul3A_48 = arith.muli %scan3A_8, %mul3A_47 : i32
      %add3A_49 = arith.constant 3 : i32
      %add3A_50 = arith.addi %mul3A_48, %add3A_49 : i32
      %dma_start3A_51 = arith.constant 384 : i32
      %dma_start3A_52 = arith.constant 0 : i32
      %dma_start3A_53 = tpu.memref_slice %arg6[%dma_start3A_51, %dma_start3A_52] : memref<1280x32xf32, #tpu.memory_space<vmem>> -> memref<128x32xf32, #tpu.memory_space<vmem>>
      %dma_start3A_54 = arith.constant 0 : i32
      %dma_start3A_55 = tpu.memref_slice %arg5[%add3A_50, %dma_start3A_54] : memref<200x128xi32, #tpu.memory_space<vmem>> -> memref<1x128xi32, #tpu.memory_space<vmem>>
      %dma_start3A_56 = tpu.memref_squeeze %dma_start3A_55 : memref<1x128xi32, #tpu.memory_space<vmem>> -> memref<128xi32, #tpu.memory_space<vmem>>
      %dma_start3A_57 = arith.constant 0 : i32
      %dma_start3A_58 = arith.constant 0 : i32
      %dma_start3A_59 = tpu.memref_slice %arg3[%dma_start3A_57, %dma_start3A_58] : memref<1000000x32xf32, #tpu.memory_space<hbm>> -> memref<1000000x32xf32, #tpu.memory_space<hbm>>
      tpu.enqueue_indirect_dma source(%dma_start3A_59 : memref<1000000x32xf32, #tpu.memory_space<hbm>>) target(%dma_start3A_53 : memref<128x32xf32, #tpu.memory_space<vmem>>) offsets(%dma_start3A_56 : memref<128xi32, #tpu.memory_space<vmem>>) semaphore(%arg7 : memref<!tpu.dma_semaphore, #tpu.memory_space<semaphore_mem>>)
      %mul3A_60 = arith.constant 10 : i32
      %mul3A_61 = arith.muli %scan3A_8, %mul3A_60 : i32
      %add3A_62 = arith.constant 4 : i32
      %add3A_63 = arith.addi %mul3A_61, %add3A_62 : i32
      %dma_start3A_64 = arith.constant 512 : i32
      %dma_start3A_65 = arith.constant 0 : i32
      %dma_start3A_66 = tpu.memref_slice %arg6[%dma_start3A_64, %dma_start3A_65] : memref<1280x32xf32, #tpu.memory_space<vmem>> -> memref<128x32xf32, #tpu.memory_space<vmem>>
      %dma_start3A_67 = arith.constant 0 : i32
      %dma_start3A_68 = tpu.memref_slice %arg5[%add3A_63, %dma_start3A_67] : memref<200x128xi32, #tpu.memory_space<vmem>> -> memref<1x128xi32, #tpu.memory_space<vmem>>
      %dma_start3A_69 = tpu.memref_squeeze %dma_start3A_68 : memref<1x128xi32, #tpu.memory_space<vmem>> -> memref<128xi32, #tpu.memory_space<vmem>>
      %dma_start3A_70 = arith.constant 0 : i32
      %dma_start3A_71 = arith.constant 0 : i32
      %dma_start3A_72 = tpu.memref_slice %arg3[%dma_start3A_70, %dma_start3A_71] : memref<1000000x32xf32, #tpu.memory_space<hbm>> -> memref<1000000x32xf32, #tpu.memory_space<hbm>>
      tpu.enqueue_indirect_dma source(%dma_start3A_72 : memref<1000000x32xf32, #tpu.memory_space<hbm>>) target(%dma_start3A_66 : memref<128x32xf32, #tpu.memory_space<vmem>>) offsets(%dma_start3A_69 : memref<128xi32, #tpu.memory_space<vmem>>) semaphore(%arg7 : memref<!tpu.dma_semaphore, #tpu.memory_space<semaphore_mem>>)
      %mul3A_73 = arith.constant 10 : i32
      %mul3A_74 = arith.muli %scan3A_8, %mul3A_73 : i32
      %add3A_75 = arith.constant 5 : i32
      %add3A_76 = arith.addi %mul3A_74, %add3A_75 : i32
      %dma_start3A_77 = arith.constant 640 : i32
      %dma_start3A_78 = arith.constant 0 : i32
      %dma_start3A_79 = tpu.memref_slice %arg6[%dma_start3A_77, %dma_start3A_78] : memref<1280x32xf32, #tpu.memory_space<vmem>> -> memref<128x32xf32, #tpu.memory_space<vmem>>
      %dma_start3A_80 = arith.constant 0 : i32
      %dma_start3A_81 = tpu.memref_slice %arg5[%add3A_76, %dma_start3A_80] : memref<200x128xi32, #tpu.memory_space<vmem>> -> memref<1x128xi32, #tpu.memory_space<vmem>>
      %dma_start3A_82 = tpu.memref_squeeze %dma_start3A_81 : memref<1x128xi32, #tpu.memory_space<vmem>> -> memref<128xi32, #tpu.memory_space<vmem>>
      %dma_start3A_83 = arith.constant 0 : i32
      %dma_start3A_84 = arith.constant 0 : i32
      %dma_start3A_85 = tpu.memref_slice %arg3[%dma_start3A_83, %dma_start3A_84] : memref<1000000x32xf32, #tpu.memory_space<hbm>> -> memref<1000000x32xf32, #tpu.memory_space<hbm>>
      tpu.enqueue_indirect_dma source(%dma_start3A_85 : memref<1000000x32xf32, #tpu.memory_space<hbm>>) target(%dma_start3A_79 : memref<128x32xf32, #tpu.memory_space<vmem>>) offsets(%dma_start3A_82 : memref<128xi32, #tpu.memory_space<vmem>>) semaphore(%arg7 : memref<!tpu.dma_semaphore, #tpu.memory_space<semaphore_mem>>)
      %mul3A_86 = arith.constant 10 : i32
      %mul3A_87 = arith.muli %scan3A_8, %mul3A_86 : i32
      %add3A_88 = arith.constant 6 : i32
      %add3A_89 = arith.addi %mul3A_87, %add3A_88 : i32
      %dma_start3A_90 = arith.constant 768 : i32
      %dma_start3A_91 = arith.constant 0 : i32
      %dma_start3A_92 = tpu.memref_slice %arg6[%dma_start3A_90, %dma_start3A_91] : memref<1280x32xf32, #tpu.memory_space<vmem>> -> memref<128x32xf32, #tpu.memory_space<vmem>>
      %dma_start3A_93 = arith.constant 0 : i32
      %dma_start3A_94 = tpu.memref_slice %arg5[%add3A_89, %dma_start3A_93] : memref<200x128xi32, #tpu.memory_space<vmem>> -> memref<1x128xi32, #tpu.memory_space<vmem>>
      %dma_start3A_95 = tpu.memref_squeeze %dma_start3A_94 : memref<1x128xi32, #tpu.memory_space<vmem>> -> memref<128xi32, #tpu.memory_space<vmem>>
      %dma_start3A_96 = arith.constant 0 : i32
      %dma_start3A_97 = arith.constant 0 : i32
      %dma_start3A_98 = tpu.memref_slice %arg3[%dma_start3A_96, %dma_start3A_97] : memref<1000000x32xf32, #tpu.memory_space<hbm>> -> memref<1000000x32xf32, #tpu.memory_space<hbm>>
      tpu.enqueue_indirect_dma source(%dma_start3A_98 : memref<1000000x32xf32, #tpu.memory_space<hbm>>) target(%dma_start3A_92 : memref<128x32xf32, #tpu.memory_space<vmem>>) offsets(%dma_start3A_95 : memref<128xi32, #tpu.memory_space<vmem>>) semaphore(%arg7 : memref<!tpu.dma_semaphore, #tpu.memory_space<semaphore_mem>>)
      %mul3A_99 = arith.constant 10 : i32
      %mul3A_100 = arith.muli %scan3A_8, %mul3A_99 : i32
      %add3A_101 = arith.constant 7 : i32
      %add3A_102 = arith.addi %mul3A_100, %add3A_101 : i32
      %dma_start3A_103 = arith.constant 896 : i32
      %dma_start3A_104 = arith.constant 0 : i32
      %dma_start3A_105 = tpu.memref_slice %arg6[%dma_start3A_103, %dma_start3A_104] : memref<1280x32xf32, #tpu.memory_space<vmem>> -> memref<128x32xf32, #tpu.memory_space<vmem>>
      %dma_start3A_106 = arith.constant 0 : i32
      %dma_start3A_107 = tpu.memref_slice %arg5[%add3A_102, %dma_start3A_106] : memref<200x128xi32, #tpu.memory_space<vmem>> -> memref<1x128xi32, #tpu.memory_space<vmem>>
      %dma_start3A_108 = tpu.memref_squeeze %dma_start3A_107 : memref<1x128xi32, #tpu.memory_space<vmem>> -> memref<128xi32, #tpu.memory_space<vmem>>
      %dma_start3A_109 = arith.constant 0 : i32
      %dma_start3A_110 = arith.constant 0 : i32
      %dma_start3A_111 = tpu.memref_slice %arg3[%dma_start3A_109, %dma_start3A_110] : memref<1000000x32xf32, #tpu.memory_space<hbm>> -> memref<1000000x32xf32, #tpu.memory_space<hbm>>
      tpu.enqueue_indirect_dma source(%dma_start3A_111 : memref<1000000x32xf32, #tpu.memory_space<hbm>>) target(%dma_start3A_105 : memref<128x32xf32, #tpu.memory_space<vmem>>) offsets(%dma_start3A_108 : memref<128xi32, #tpu.memory_space<vmem>>) semaphore(%arg7 : memref<!tpu.dma_semaphore, #tpu.memory_space<semaphore_mem>>)
      %mul3A_112 = arith.constant 10 : i32
      %mul3A_113 = arith.muli %scan3A_8, %mul3A_112 : i32
      %add3A_114 = arith.constant 8 : i32
      %add3A_115 = arith.addi %mul3A_113, %add3A_114 : i32
      %dma_start3A_116 = arith.constant 1024 : i32
      %dma_start3A_117 = arith.constant 0 : i32
      %dma_start3A_118 = tpu.memref_slice %arg6[%dma_start3A_116, %dma_start3A_117] : memref<1280x32xf32, #tpu.memory_space<vmem>> -> memref<128x32xf32, #tpu.memory_space<vmem>>
      %dma_start3A_119 = arith.constant 0 : i32
      %dma_start3A_120 = tpu.memref_slice %arg5[%add3A_115, %dma_start3A_119] : memref<200x128xi32, #tpu.memory_space<vmem>> -> memref<1x128xi32, #tpu.memory_space<vmem>>
      %dma_start3A_121 = tpu.memref_squeeze %dma_start3A_120 : memref<1x128xi32, #tpu.memory_space<vmem>> -> memref<128xi32, #tpu.memory_space<vmem>>
      %dma_start3A_122 = arith.constant 0 : i32
      %dma_start3A_123 = arith.constant 0 : i32
      %dma_start3A_124 = tpu.memref_slice %arg3[%dma_start3A_122, %dma_start3A_123] : memref<1000000x32xf32, #tpu.memory_space<hbm>> -> memref<1000000x32xf32, #tpu.memory_space<hbm>>
      tpu.enqueue_indirect_dma source(%dma_start3A_124 : memref<1000000x32xf32, #tpu.memory_space<hbm>>) target(%dma_start3A_118 : memref<128x32xf32, #tpu.memory_space<vmem>>) offsets(%dma_start3A_121 : memref<128xi32, #tpu.memory_space<vmem>>) semaphore(%arg7 : memref<!tpu.dma_semaphore, #tpu.memory_space<semaphore_mem>>)
      %mul3A_125 = arith.constant 10 : i32
      %mul3A_126 = arith.muli %scan3A_8, %mul3A_125 : i32
      %add3A_127 = arith.constant 9 : i32
      %add3A_128 = arith.addi %mul3A_126, %add3A_127 : i32
      %dma_start3A_129 = arith.constant 1152 : i32
      %dma_start3A_130 = arith.constant 0 : i32
      %dma_start3A_131 = tpu.memref_slice %arg6[%dma_start3A_129, %dma_start3A_130] : memref<1280x32xf32, #tpu.memory_space<vmem>> -> memref<128x32xf32, #tpu.memory_space<vmem>>
      %dma_start3A_132 = arith.constant 0 : i32
      %dma_start3A_133 = tpu.memref_slice %arg5[%add3A_128, %dma_start3A_132] : memref<200x128xi32, #tpu.memory_space<vmem>> -> memref<1x128xi32, #tpu.memory_space<vmem>>
      %dma_start3A_134 = tpu.memref_squeeze %dma_start3A_133 : memref<1x128xi32, #tpu.memory_space<vmem>> -> memref<128xi32, #tpu.memory_space<vmem>>
      %dma_start3A_135 = arith.constant 0 : i32
      %dma_start3A_136 = arith.constant 0 : i32
      %dma_start3A_137 = tpu.memref_slice %arg3[%dma_start3A_135, %dma_start3A_136] : memref<1000000x32xf32, #tpu.memory_space<hbm>> -> memref<1000000x32xf32, #tpu.memory_space<hbm>>
      tpu.enqueue_indirect_dma source(%dma_start3A_137 : memref<1000000x32xf32, #tpu.memory_space<hbm>>) target(%dma_start3A_131 : memref<128x32xf32, #tpu.memory_space<vmem>>) offsets(%dma_start3A_134 : memref<128xi32, #tpu.memory_space<vmem>>) semaphore(%arg7 : memref<!tpu.dma_semaphore, #tpu.memory_space<semaphore_mem>>)
      %dma_wait3A = arith.constant 0 : i32
      %dma_wait3A_138 = arith.constant 0 : i32
      %dma_wait3A_139 = tpu.memref_slice %arg6[%dma_wait3A, %dma_wait3A_138] : memref<1280x32xf32, #tpu.memory_space<vmem>> -> memref<128x32xf32, #tpu.memory_space<vmem>>
      %dma_wait3A_140 = arith.constant 0 : i32
      %dma_wait3A_141 = tpu.memref_slice %arg5[%add3A_12, %dma_wait3A_140] : memref<200x128xi32, #tpu.memory_space<vmem>> -> memref<1x128xi32, #tpu.memory_space<vmem>>
      %dma_wait3A_142 = tpu.memref_squeeze %dma_wait3A_141 : memref<1x128xi32, #tpu.memory_space<vmem>> -> memref<128xi32, #tpu.memory_space<vmem>>
      %dma_wait3A_143 = arith.constant 0 : i32
      %dma_wait3A_144 = arith.constant 0 : i32
      %dma_wait3A_145 = tpu.memref_slice %arg3[%dma_wait3A_143, %dma_wait3A_144] : memref<1000000x32xf32, #tpu.memory_space<hbm>> -> memref<1000000x32xf32, #tpu.memory_space<hbm>>
      tpu.wait_indirect_dma semaphore(%arg7 : memref<!tpu.dma_semaphore, #tpu.memory_space<semaphore_mem>>) src(%dma_wait3A_145 : memref<1000000x32xf32, #tpu.memory_space<hbm>>) dst(%dma_wait3A_139 : memref<128x32xf32, #tpu.memory_space<vmem>>)
      %dma_wait3A_146 = arith.constant 128 : i32
      %dma_wait3A_147 = arith.constant 0 : i32
      %dma_wait3A_148 = tpu.memref_slice %arg6[%dma_wait3A_146, %dma_wait3A_147] : memref<1280x32xf32, #tpu.memory_space<vmem>> -> memref<128x32xf32, #tpu.memory_space<vmem>>
      %dma_wait3A_149 = arith.constant 0 : i32
      %dma_wait3A_150 = tpu.memref_slice %arg5[%add3A_24, %dma_wait3A_149] : memref<200x128xi32, #tpu.memory_space<vmem>> -> memref<1x128xi32, #tpu.memory_space<vmem>>
      %dma_wait3A_151 = tpu.memref_squeeze %dma_wait3A_150 : memref<1x128xi32, #tpu.memory_space<vmem>> -> memref<128xi32, #tpu.memory_space<vmem>>
      %dma_wait3A_152 = arith.constant 0 : i32
      %dma_wait3A_153 = arith.constant 0 : i32
      %dma_wait3A_154 = tpu.memref_slice %arg3[%dma_wait3A_152, %dma_wait3A_153] : memref<1000000x32xf32, #tpu.memory_space<hbm>> -> memref<1000000x32xf32, #tpu.memory_space<hbm>>
      tpu.wait_indirect_dma semaphore(%arg7 : memref<!tpu.dma_semaphore, #tpu.memory_space<semaphore_mem>>) src(%dma_wait3A_154 : memref<1000000x32xf32, #tpu.memory_space<hbm>>) dst(%dma_wait3A_148 : memref<128x32xf32, #tpu.memory_space<vmem>>)
      %dma_wait3A_155 = arith.constant 256 : i32
      %dma_wait3A_156 = arith.constant 0 : i32
      %dma_wait3A_157 = tpu.memref_slice %arg6[%dma_wait3A_155, %dma_wait3A_156] : memref<1280x32xf32, #tpu.memory_space<vmem>> -> memref<128x32xf32, #tpu.memory_space<vmem>>
      %dma_wait3A_158 = arith.constant 0 : i32
      %dma_wait3A_159 = tpu.memref_slice %arg5[%add3A_37, %dma_wait3A_158] : memref<200x128xi32, #tpu.memory_space<vmem>> -> memref<1x128xi32, #tpu.memory_space<vmem>>
      %dma_wait3A_160 = tpu.memref_squeeze %dma_wait3A_159 : memref<1x128xi32, #tpu.memory_space<vmem>> -> memref<128xi32, #tpu.memory_space<vmem>>
      %dma_wait3A_161 = arith.constant 0 : i32
      %dma_wait3A_162 = arith.constant 0 : i32
      %dma_wait3A_163 = tpu.memref_slice %arg3[%dma_wait3A_161, %dma_wait3A_162] : memref<1000000x32xf32, #tpu.memory_space<hbm>> -> memref<1000000x32xf32, #tpu.memory_space<hbm>>
      tpu.wait_indirect_dma semaphore(%arg7 : memref<!tpu.dma_semaphore, #tpu.memory_space<semaphore_mem>>) src(%dma_wait3A_163 : memref<1000000x32xf32, #tpu.memory_space<hbm>>) dst(%dma_wait3A_157 : memref<128x32xf32, #tpu.memory_space<vmem>>)
      %dma_wait3A_164 = arith.constant 384 : i32
      %dma_wait3A_165 = arith.constant 0 : i32
      %dma_wait3A_166 = tpu.memref_slice %arg6[%dma_wait3A_164, %dma_wait3A_165] : memref<1280x32xf32, #tpu.memory_space<vmem>> -> memref<128x32xf32, #tpu.memory_space<vmem>>
      %dma_wait3A_167 = arith.constant 0 : i32
      %dma_wait3A_168 = tpu.memref_slice %arg5[%add3A_50, %dma_wait3A_167] : memref<200x128xi32, #tpu.memory_space<vmem>> -> memref<1x128xi32, #tpu.memory_space<vmem>>
      %dma_wait3A_169 = tpu.memref_squeeze %dma_wait3A_168 : memref<1x128xi32, #tpu.memory_space<vmem>> -> memref<128xi32, #tpu.memory_space<vmem>>
      %dma_wait3A_170 = arith.constant 0 : i32
      %dma_wait3A_171 = arith.constant 0 : i32
      %dma_wait3A_172 = tpu.memref_slice %arg3[%dma_wait3A_170, %dma_wait3A_171] : memref<1000000x32xf32, #tpu.memory_space<hbm>> -> memref<1000000x32xf32, #tpu.memory_space<hbm>>
      tpu.wait_indirect_dma semaphore(%arg7 : memref<!tpu.dma_semaphore, #tpu.memory_space<semaphore_mem>>) src(%dma_wait3A_172 : memref<1000000x32xf32, #tpu.memory_space<hbm>>) dst(%dma_wait3A_166 : memref<128x32xf32, #tpu.memory_space<vmem>>)
      %dma_wait3A_173 = arith.constant 512 : i32
      %dma_wait3A_174 = arith.constant 0 : i32
      %dma_wait3A_175 = tpu.memref_slice %arg6[%dma_wait3A_173, %dma_wait3A_174] : memref<1280x32xf32, #tpu.memory_space<vmem>> -> memref<128x32xf32, #tpu.memory_space<vmem>>
      %dma_wait3A_176 = arith.constant 0 : i32
      %dma_wait3A_177 = tpu.memref_slice %arg5[%add3A_63, %dma_wait3A_176] : memref<200x128xi32, #tpu.memory_space<vmem>> -> memref<1x128xi32, #tpu.memory_space<vmem>>
      %dma_wait3A_178 = tpu.memref_squeeze %dma_wait3A_177 : memref<1x128xi32, #tpu.memory_space<vmem>> -> memref<128xi32, #tpu.memory_space<vmem>>
      %dma_wait3A_179 = arith.constant 0 : i32
      %dma_wait3A_180 = arith.constant 0 : i32
      %dma_wait3A_181 = tpu.memref_slice %arg3[%dma_wait3A_179, %dma_wait3A_180] : memref<1000000x32xf32, #tpu.memory_space<hbm>> -> memref<1000000x32xf32, #tpu.memory_space<hbm>>
      tpu.wait_indirect_dma semaphore(%arg7 : memref<!tpu.dma_semaphore, #tpu.memory_space<semaphore_mem>>) src(%dma_wait3A_181 : memref<1000000x32xf32, #tpu.memory_space<hbm>>) dst(%dma_wait3A_175 : memref<128x32xf32, #tpu.memory_space<vmem>>)
      %dma_wait3A_182 = arith.constant 640 : i32
      %dma_wait3A_183 = arith.constant 0 : i32
      %dma_wait3A_184 = tpu.memref_slice %arg6[%dma_wait3A_182, %dma_wait3A_183] : memref<1280x32xf32, #tpu.memory_space<vmem>> -> memref<128x32xf32, #tpu.memory_space<vmem>>
      %dma_wait3A_185 = arith.constant 0 : i32
      %dma_wait3A_186 = tpu.memref_slice %arg5[%add3A_76, %dma_wait3A_185] : memref<200x128xi32, #tpu.memory_space<vmem>> -> memref<1x128xi32, #tpu.memory_space<vmem>>
      %dma_wait3A_187 = tpu.memref_squeeze %dma_wait3A_186 : memref<1x128xi32, #tpu.memory_space<vmem>> -> memref<128xi32, #tpu.memory_space<vmem>>
      %dma_wait3A_188 = arith.constant 0 : i32
      %dma_wait3A_189 = arith.constant 0 : i32
      %dma_wait3A_190 = tpu.memref_slice %arg3[%dma_wait3A_188, %dma_wait3A_189] : memref<1000000x32xf32, #tpu.memory_space<hbm>> -> memref<1000000x32xf32, #tpu.memory_space<hbm>>
      tpu.wait_indirect_dma semaphore(%arg7 : memref<!tpu.dma_semaphore, #tpu.memory_space<semaphore_mem>>) src(%dma_wait3A_190 : memref<1000000x32xf32, #tpu.memory_space<hbm>>) dst(%dma_wait3A_184 : memref<128x32xf32, #tpu.memory_space<vmem>>)
      %dma_wait3A_191 = arith.constant 768 : i32
      %dma_wait3A_192 = arith.constant 0 : i32
      %dma_wait3A_193 = tpu.memref_slice %arg6[%dma_wait3A_191, %dma_wait3A_192] : memref<1280x32xf32, #tpu.memory_space<vmem>> -> memref<128x32xf32, #tpu.memory_space<vmem>>
      %dma_wait3A_194 = arith.constant 0 : i32
      %dma_wait3A_195 = tpu.memref_slice %arg5[%add3A_89, %dma_wait3A_194] : memref<200x128xi32, #tpu.memory_space<vmem>> -> memref<1x128xi32, #tpu.memory_space<vmem>>
      %dma_wait3A_196 = tpu.memref_squeeze %dma_wait3A_195 : memref<1x128xi32, #tpu.memory_space<vmem>> -> memref<128xi32, #tpu.memory_space<vmem>>
      %dma_wait3A_197 = arith.constant 0 : i32
      %dma_wait3A_198 = arith.constant 0 : i32
      %dma_wait3A_199 = tpu.memref_slice %arg3[%dma_wait3A_197, %dma_wait3A_198] : memref<1000000x32xf32, #tpu.memory_space<hbm>> -> memref<1000000x32xf32, #tpu.memory_space<hbm>>
      tpu.wait_indirect_dma semaphore(%arg7 : memref<!tpu.dma_semaphore, #tpu.memory_space<semaphore_mem>>) src(%dma_wait3A_199 : memref<1000000x32xf32, #tpu.memory_space<hbm>>) dst(%dma_wait3A_193 : memref<128x32xf32, #tpu.memory_space<vmem>>)
      %dma_wait3A_200 = arith.constant 896 : i32
      %dma_wait3A_201 = arith.constant 0 : i32
      %dma_wait3A_202 = tpu.memref_slice %arg6[%dma_wait3A_200, %dma_wait3A_201] : memref<1280x32xf32, #tpu.memory_space<vmem>> -> memref<128x32xf32, #tpu.memory_space<vmem>>
      %dma_wait3A_203 = arith.constant 0 : i32
      %dma_wait3A_204 = tpu.memref_slice %arg5[%add3A_102, %dma_wait3A_203] : memref<200x128xi32, #tpu.memory_space<vmem>> -> memref<1x128xi32, #tpu.memory_space<vmem>>
      %dma_wait3A_205 = tpu.memref_squeeze %dma_wait3A_204 : memref<1x128xi32, #tpu.memory_space<vmem>> -> memref<128xi32, #tpu.memory_space<vmem>>
      %dma_wait3A_206 = arith.constant 0 : i32
      %dma_wait3A_207 = arith.constant 0 : i32
      %dma_wait3A_208 = tpu.memref_slice %arg3[%dma_wait3A_206, %dma_wait3A_207] : memref<1000000x32xf32, #tpu.memory_space<hbm>> -> memref<1000000x32xf32, #tpu.memory_space<hbm>>
      tpu.wait_indirect_dma semaphore(%arg7 : memref<!tpu.dma_semaphore, #tpu.memory_space<semaphore_mem>>) src(%dma_wait3A_208 : memref<1000000x32xf32, #tpu.memory_space<hbm>>) dst(%dma_wait3A_202 : memref<128x32xf32, #tpu.memory_space<vmem>>)
      %dma_wait3A_209 = arith.constant 1024 : i32
      %dma_wait3A_210 = arith.constant 0 : i32
      %dma_wait3A_211 = tpu.memref_slice %arg6[%dma_wait3A_209, %dma_wait3A_210] : memref<1280x32xf32, #tpu.memory_space<vmem>> -> memref<128x32xf32, #tpu.memory_space<vmem>>
      %dma_wait3A_212 = arith.constant 0 : i32
      %dma_wait3A_213 = tpu.memref_slice %arg5[%add3A_115, %dma_wait3A_212] : memref<200x128xi32, #tpu.memory_space<vmem>> -> memref<1x128xi32, #tpu.memory_space<vmem>>
      %dma_wait3A_214 = tpu.memref_squeeze %dma_wait3A_213 : memref<1x128xi32, #tpu.memory_space<vmem>> -> memref<128xi32, #tpu.memory_space<vmem>>
      %dma_wait3A_215 = arith.constant 0 : i32
      %dma_wait3A_216 = arith.constant 0 : i32
      %dma_wait3A_217 = tpu.memref_slice %arg3[%dma_wait3A_215, %dma_wait3A_216] : memref<1000000x32xf32, #tpu.memory_space<hbm>> -> memref<1000000x32xf32, #tpu.memory_space<hbm>>
      tpu.wait_indirect_dma semaphore(%arg7 : memref<!tpu.dma_semaphore, #tpu.memory_space<semaphore_mem>>) src(%dma_wait3A_217 : memref<1000000x32xf32, #tpu.memory_space<hbm>>) dst(%dma_wait3A_211 : memref<128x32xf32, #tpu.memory_space<vmem>>)
      %dma_wait3A_218 = arith.constant 1152 : i32
      %dma_wait3A_219 = arith.constant 0 : i32
      %dma_wait3A_220 = tpu.memref_slice %arg6[%dma_wait3A_218, %dma_wait3A_219] : memref<1280x32xf32, #tpu.memory_space<vmem>> -> memref<128x32xf32, #tpu.memory_space<vmem>>
      %dma_wait3A_221 = arith.constant 0 : i32
      %dma_wait3A_222 = tpu.memref_slice %arg5[%add3A_128, %dma_wait3A_221] : memref<200x128xi32, #tpu.memory_space<vmem>> -> memref<1x128xi32, #tpu.memory_space<vmem>>
      %dma_wait3A_223 = tpu.memref_squeeze %dma_wait3A_222 : memref<1x128xi32, #tpu.memory_space<vmem>> -> memref<128xi32, #tpu.memory_space<vmem>>
      %dma_wait3A_224 = arith.constant 0 : i32
      %dma_wait3A_225 = arith.constant 0 : i32
      %dma_wait3A_226 = tpu.memref_slice %arg3[%dma_wait3A_224, %dma_wait3A_225] : memref<1000000x32xf32, #tpu.memory_space<hbm>> -> memref<1000000x32xf32, #tpu.memory_space<hbm>>
      tpu.wait_indirect_dma semaphore(%arg7 : memref<!tpu.dma_semaphore, #tpu.memory_space<semaphore_mem>>) src(%dma_wait3A_226 : memref<1000000x32xf32, #tpu.memory_space<hbm>>) dst(%dma_wait3A_220 : memref<128x32xf32, #tpu.memory_space<vmem>>)
      %mul3A_227 = arith.constant 1280 : i32
      %mul3A_228 = arith.muli %scan3A_8, %mul3A_227 : i32
      %add3A_229 = arith.addi %mul3A_2, %mul3A_228 : i32
      "tpu.region"() ({
        %run_scoped3A = tpu.sem_alloc : memref<!tpu.dma_semaphore, #tpu.memory_space<semaphore_mem>>
        %dma_start3A_230 = arith.constant 0 : i32
        %dma_start3A_231 = tpu.memref_slice %arg4[%add3A_229, %dma_start3A_230] : memref<819200x32xf32, #tpu.memory_space<hbm>> -> memref<1280x32xf32, #tpu.memory_space<hbm>>
        %dma_start3A_232 = arith.constant 0 : i32
        %dma_start3A_233 = tpu.memref_slice %arg4[%add3A_229, %dma_start3A_232] : memref<819200x32xf32, #tpu.memory_space<hbm>> -> memref<1280x32xf32, #tpu.memory_space<hbm>>
        tpu.enqueue_dma source(%arg6 : memref<1280x32xf32, #tpu.memory_space<vmem>>) target(%dma_start3A_233 : memref<1280x32xf32, #tpu.memory_space<hbm>>) target_semaphore(%run_scoped3A : memref<!tpu.dma_semaphore, #tpu.memory_space<semaphore_mem>>)
        %dma_wait3A_234 = arith.constant 0 : i32
        %dma_wait3A_235 = tpu.memref_slice %arg4[%add3A_229, %dma_wait3A_234] : memref<819200x32xf32, #tpu.memory_space<hbm>> -> memref<1280x32xf32, #tpu.memory_space<hbm>>
        %dma_wait3A_236 = arith.constant 0 : i32
        %dma_wait3A_237 = tpu.memref_slice %arg4[%add3A_229, %dma_wait3A_236] : memref<819200x32xf32, #tpu.memory_space<hbm>> -> memref<1280x32xf32, #tpu.memory_space<hbm>>
        tpu.wait_dma2 semaphore(%run_scoped3A : memref<!tpu.dma_semaphore, #tpu.memory_space<semaphore_mem>>) src(%arg6 : memref<1280x32xf32, #tpu.memory_space<vmem>>) dst(%dma_wait3A_237 : memref<1280x32xf32, #tpu.memory_space<hbm>>)
        tpu.yield
      }) : () -> ()
    }
    %scan3A_7 = arith.constant 20 : i32
    return
  }
}

</mosaic_0001>

<sc_bundles>
// kernel: kernel.3.cloned.1.call-start
scs
__scs_entry_jumppad:
0x0: {  	(pc) =	sbr.rel $0x88, $3  }
0x1: {  	(tag) =	ssettag $0x0;
	lr =	simm.s32 $0x1  }
0x2: {  	[smem:$0x3F9F] =	sst lr;
	_ =	strace $0xD0000000  }
0x3: {  	_ = 	snop  }
0x4: {  	_ = 	snop  }
0x5: {  	_ = 	snop  }
0x6: {  	_ = 	snop  }
0x7: {  	_ = 	snop  }
__scs_overlays_trampoline_lowered:
0x8: {  	[smem:$0x3FAE] =	sst s0  }
0x9: {  	[smem:$0x3FAF] =	sst s1  }
0xa: {  	[smem:$0x3FB0] =	sst s2  }
0xb: {  	[smem:$0x3FB1] =	sst s3  }
0xc: {  	[smem:$0x3FB2] =	sst s4  }
0xd: {  	[smem:$0x3FB3] =	sst s5  }
0xe: {  	[smem:$0x3FB4] =	sst s6  }
0xf: {  	[smem:$0x3FB5] =	sst s7  }
0x10: {  	[smem:$0x3FB6] =	sst s8  }
0x11: {  	[smem:$0x3FB7] =	sst s9;
	s0 =	simm.s32 @!p0 $0x0  }
0x12: {  	s1 =	sld [smem:$0x3F9D];
	s0 =	simm.s32 @p0 $0x1  }
0x13: {  	[smem:$0x3FB8] =	sst s0;
	s0 =	simm.s32 @!p1 $0x0  }
0x14: {  	s2 =	sld [smem:$0x3F9C];
	s0 =	simm.s32 @p1 $0x1  }
0x15: {  	[smem:$0x3FB9] =	sst s0;
	s0 =	simm.s32 @!p2 $0x0  }
0x16: {  	s3 =	sld [smem:$0x3FDB];
	s0 =	simm.s32 @p2 $0x1  }
0x17: {  	s4 =	simm.s32 $0x1BF5;
	[smem:$0x3FBB] =	sst s0  }
0x18: {  	s0 =	sld [smem:$0x3F9E];
	_ =	swait.ge [sflag:s4], $0x0  }
0x19: {  	s7 =	sld [smem:$0x3F9F]  }
0x1a: {  	s8 =	sadd.s32 $0xFFFFE003, lr  }
0x1b: {  	s9 =	sadd.s32 $0xFFFFFEF7, lr;
	s5 =	simm.s32 $0xFFFFFFFF;
	p2 =	slt.u32 s8, $0xFFFFF086  }
0x1c: {  	p1 =	slt.u32 s9, $0xF7A;
	s5 =	simm.s32 @!p2 $0x0  }
0x1d: {  	s5 =	simm.s32 @p1 $0x1;
	p0 =	seq.s32 s7, s2  }
0x1e: {  	s7 =	smul.u32 @!p0 $0xF7A, s2;
	p2 =	seq.s32 @!p0 s5, $0x0  }
0x1f: {  	s9 =	smul.u32 $0xF7A, s1;
	s8 =	simm.s32 @!p0 $0x1BF5;
	p2 =	por !p2, p0  }
0x20: {  	[sflag:s8] =	ssyncset.s32 @!p0 $0xFFFFF086;
	s6 =	sadd.s32 @!p0 s3, s7;
	s7 =	simm.s32 @!p0 $0x108  }
0x21: {  	s3 =	sadd.s32 s3, s9;
	s6 =	sadd.s32 @!p0 $0x88, s6;
	s7 =	simm.s32 @p2 $0x1082  }
0x22: {  	[simem:s7], [sflag:s8] =	dma.local @!p0 [hbm:s6], $0xF7A  }
0x23: {  	s9 =	sor.u32 $0xD0000000, s2;
	s6 =	simm.s32 $0x108;
	_ =	swait.ge @!p0 [sflag:s8], $0x0  }
0x24: {  	s3 =	sadd.s32 $0x88, s3;
	s6 =	simm.s32 @!p1 $0x1082;
	[sflag:s4] =	ssyncset.s32 $0xFFFFF086  }
0x25: {  	[simem:s6], [sflag:s4] =	dma.local [hbm:s3], $0xF7A  }
0x26: {  	[smem:$0x3F9F] =	sst s1;
	(tag) =	ssettag s2;
	_ =	strace s9  }
0x27: {  	s1 =	sld [smem:$0x3FAF]  }
0x28: {  	s2 =	sld [smem:$0x3FB0]  }
0x29: {  	s4 =	sld [smem:$0x3FB2]  }
0x2a: {  	p0 =	seq.s32 s5, $0x0;
	s5 =	sld [smem:$0x3FB3]  }
0x2b: {  	s6 =	sld [smem:$0x3FB4]  }
0x2c: {  	s7 =	sld [smem:$0x3FB5]  }
0x2d: {  	s3 =	simm.s32 $0x108;
	s8 =	sld [smem:$0x3FB6]  }
0x2e: {  	s3 =	simm.s32 @!p0 $0x1082;
	s9 =	sld [smem:$0x3FB7]  }
0x2f: {  	lr =	sadd.s32 s0, s3;
	s0 =	sld [smem:$0x3FAE]  }
0x30: {  	s3 =	sld [smem:$0x3FB1]  }
0x31: {  	[smem:$0x3FBA] =	sst s10  }
0x32: {  	s10 =	sld [smem:$0x3FB8];
	_ =	sdelay $0x3  }
0x33: {  	p0 =	seq.s32 s10, $0x1;
	s10 =	sld [smem:$0x3FBA];
	_ =	sdelay $0x3  }
0x34: {  	[smem:$0x3FBA] =	sst s10  }
0x35: {  	s10 =	sld [smem:$0x3FB9];
	_ =	sdelay $0x3  }
0x36: {  	p1 =	seq.s32 s10, $0x1;
	s10 =	sld [smem:$0x3FBA];
	_ =	sdelay $0x3  }
0x37: {  	[smem:$0x3FBA] =	sst s10  }
0x38: {  	s10 =	sld [smem:$0x3FBB]  }
0x39: {  	_ = 	snop;
	(pc) =	sbr.ind lr, $3  }
0x3a: {  	_ = 	snop  }
0x3b: {  	_ = 	snop  }
0x3c: {  	p2 =	seq.s32 s10, $0x1;
	s10 =	sld [smem:$0x3FBA]  }
0x3d: {  	_ =	shalt  }
0x3e: {  	_ =	shalt  }
0x3f: {  	_ =	shalt  }
0x40: {  	_ =	shalt  }
0x41: {  	_ =	shalt  }
0x42: {  	_ =	shalt  }
0x43: {  	_ =	shalt  }
0x44: {  	_ =	shalt  }
0x45: {  	_ =	shalt  }
0x46: {  	_ =	shalt  }
0x47: {  	_ =	shalt  }
0x48: {  	_ =	shalt  }
0x49: {  	_ =	shalt  }
0x4a: {  	_ =	shalt  }
0x4b: {  	_ =	shalt  }
0x4c: {  	_ =	shalt  }
0x4d: {  	_ =	shalt  }
0x4e: {  	_ =	shalt  }
0x4f: {  	_ =	shalt  }
0x50: {  	_ =	shalt  }
0x51: {  	_ =	shalt  }
0x52: {  	_ =	shalt  }
0x53: {  	_ =	shalt  }
0x54: {  	_ =	shalt  }
0x55: {  	_ =	shalt  }
0x56: {  	_ =	shalt  }
0x57: {  	_ =	shalt  }
0x58: {  	_ =	shalt  }
0x59: {  	_ =	shalt  }
0x5a: {  	_ =	shalt  }
0x5b: {  	_ =	shalt  }
0x5c: {  	_ =	shalt  }
0x5d: {  	_ =	shalt  }
0x5e: {  	_ =	shalt  }
0x5f: {  	_ =	shalt  }
0x60: {  	_ =	shalt  }
0x61: {  	_ =	shalt  }
0x62: {  	_ =	shalt  }
0x63: {  	_ =	shalt  }
0x64: {  	_ =	shalt  }
0x65: {  	_ =	shalt  }
0x66: {  	_ =	shalt  }
0x67: {  	_ =	shalt  }
0x68: {  	_ =	shalt  }
0x69: {  	_ =	shalt  }
0x6a: {  	_ =	shalt  }
0x6b: {  	_ =	shalt  }
0x6c: {  	_ =	shalt  }
0x6d: {  	_ =	shalt  }
0x6e: {  	_ =	shalt  }
0x6f: {  	_ =	shalt  }
0x70: {  	_ =	shalt  }
0x71: {  	_ =	shalt  }
0x72: {  	_ =	shalt  }
0x73: {  	_ =	shalt  }
0x74: {  	_ =	shalt  }
0x75: {  	_ =	shalt  }
0x76: {  	_ =	shalt  }
0x77: {  	_ =	shalt  }
0x78: {  	_ =	shalt  }
0x79: {  	_ =	shalt  }
0x7a: {  	_ =	shalt  }
0x7b: {  	_ =	shalt  }
0x7c: {  	_ =	shalt  }
0x7d: {  	_ =	shalt  }
0x7e: {  	_ =	shalt  }
0x7f: {  	_ =	shalt  }
0x80: {  	_ =	shalt  }
0x81: {  	_ =	shalt  }
0x82: {  	_ =	shalt  }
0x83: {  	_ =	shalt  }
0x84: {  	_ =	shalt  }
0x85: {  	_ =	shalt  }
0x86: {  	_ =	shalt  }
0x87: {  	_ =	shalt  }
.Lfunc_end0:
.L_simem_size_0:
called_computation.1_lowered:
.L_overlay_start_0:
0x88: {  	s2 =	sld [smem:$0x3FD9]  }
0x89: {  	s3 =	sld [smem:$0x3FFE];
	_ =	sdelay $0x1  }
0x8a: {  	s1 =	srdreg.scid  }
0x8b: {  	s0 =	sand.u32 $0x1, s1  }
0x8c: {  	s17 =	sshll.u32 s0, $0xA;
	s2 =	sadd.s32 s3, s2  }
0x8d: {  	s2 =	sadd.s32 s2, s17  }
0x8e: {  	[smem:$0x3FC6] =	sst s2  }
0x8f: {  	_ = 	snop  }
0x90: {  	s2 =	sld [smem:$0x3FD0];
	(tm) =	ssettm $0x1  }
0x91: {  	s18 =	sld [smem:$0x3FFB];
	_ =	sdelay $0x3  }
0x92: {  	_ =	strace s18  }
0x93: {  	s3 =	sld [smem:$0x3FFC];
	_ =	sdelay $0x3  }
0x94: {  	_ =	strace s3  }
0x95: {  	s3 =	sld [smem:$0x3FFD];
	_ =	sdelay $0x3  }
0x96: {  	_ =	strace s3  }
0x97: {  	_ =	strace $0x8FFFFFFF  }
0x98: {  	s19 =	sld [smem:$0x3FDB];
	_ =	sdelay $0x1  }
0x99: {  	s4 =	simm.s32 $_scs_section_size  }
0x9a: {  	s5 =	simm.s32 $_size__tile_overlayer_lowered;
	s6 =	simm.s32 $_tile_overlayer_lowered  }
0x9b: {  	s22 =	simm.s32 $0x1BFF;
	s21 =	sshll.u32 s6, $0x1;
	s3 =	sadd.s32 s4, s19  }
0x9c: {  	s7 =	simm.s32 $0x0;
	s20 =	sshll.u32 s5, $0x1;
	s5 =	sadd.s32 s21, s3  }
0x9d: {  	[timem:s7], [sflag:s22] =	dma.local [hbm:s5], s20  }
0x9e: {  	_ =	swait.ge [sflag:s22], s20  }
0x9f: {  	s4 =	ssub.s32 $0x0, s20;
	[sflag:s22] =	ssyncset.done $0x0  }
0xa0: {  	[sflag:s22] =	ssyncadd.s32 s4;
	_ =	sdelay $0x1  }
0xa1: {  	s23 =	simm.s32 $0x1B8B  }
0xa2: {  	_ =	swait.ge [sflag:s23], $0x1  }
0xa3: {  	[sflag:s23] =	ssyncset.done $0x0  }
0xa4: {  	s25 =	simm.s32 $0x1B8E;
	s24 =	sld [smem:$0x3FFE];
	[sflag:s23] =	ssyncadd.s32 $0xFFFFFFFF  }
0xa5: {  	s26 =	simm.s32 $execute0_lowered;
	[smem:$0x3FD2] =	sst s25  }
0xa6: {  	s5 =	sshll.u32 s26, $0x1;
	_ =	strace $0x80000046;
	[dreg:$0x1] =	wrdreg $0xFFFFFFFF  }
0xa7: {  	s28 =	simm.s32 $_size_execute0_lowered;
	s3 =	sadd.s32 s3, s5;
	[dreg:$0x0] =	wrdreg $0x0  }
0xa8: {  	s5 =	sshll.u32 s28, $0x1;
	[dreg:$0x2] =	wrdreg s3  }
0xa9: {  	[dreg:$0x3] =	wrdreg s5  }
0xaa: {  	[dreg:$0x4] =	wrdreg $0xC0  }
0xab: {  	_ =	task [dreg:s7], $0x5FFFF  }
0xac: {  	[dreg:$0x1] =	wrdreg $0xFFFFFFFF  }
0xad: {  	[dreg:$0x0] =	wrdreg $0x60  }
0xae: {  	[dreg:$0x2] =	wrdreg s24  }
0xaf: {  	[dreg:$0x3] =	wrdreg s2  }
0xb0: {  	[dreg:$0x4] =	wrdreg $0x9  }
0xb1: {  	_ =	task.clear_ibuf [dreg:s7], $0x5FFFF;
	_ =	strace $0x90000046  }
0xb2: {  	s29 =	simm.s32 $0x9;
	_ =	strace $0x80000048  }
0xb3: {  	_ =	swait.ge [sflag:s29], $0x1  }
0xb4: {  	[sflag:s29] =	ssyncadd.s32 $0xFFFFFFFF  }
0xb5: {  	_ =	strace $0x90000048  }
0xb6: {  	_ =	sfence  }
0xb7: {  	s30 =	sld [smem:$0x0];
	_ =	sdelay $0x2  }
0xb8: {  	s31 =	sshll.u32 s1, $0xD;
	s1 =	sshrl.u32 s1, $0x2  }
0xb9: {  	s3 =	sand.u32 $0x4000, s31;
	s1 =	sadd.s32 s1, s30  }
0xba: {  	s0 =	sor.u32 s3, s0;
	s1 =	sshll.u32 s1, $0x11  }
0xbb: {  	s0 =	sor.u32 s1, s0  }
0xbc: {  	s0 =	sadd.s32 $0x8F2B, s0  }
0xbd: {  	[sflag:s0] =	ssyncadd.remote.s32 $0x1  }
0xbe: {  	_ =	sfence.sel $0xFFFF  }
0xbf: {  	[dreg:$0x0] =	wrdreg $0xFFFFFFFF;
	(pc) =	sbr.abs _section_cstart, $3  }
0xc0: {  	[dreg:$0x1] =	wrdreg $0xFFFFFFFF  }
0xc1: {  	_ =	task.clear_ibuf [dreg:s7], $0x2FFFF;
	_ =	strace $0x9FFFFFFF  }
0xc2: {  	(tm) =	ssettm $0x7FFFFFFF  }
0xc3: {  	_ =	shalt  }
tec
execute0_lowered:
.L_overlay_start_1:
0x0: {  	(tag) =	ssettag $0x1  }
0x1: {  	s1 =	srdreg.scid;
	s3 =	rddreg [dreg:$0x0]  }
0x2: {  	s0 =	stileid.u32;
	s6 =	rddreg [dreg:$0x1];
	s2 =	simm.s32 $0x0  }
0x3: {  	s10 =	simm.s32 $0x7400;
	s11 =	simm.s32 $0x8400;
	s12 =	simm.s32 $0x9400  }
0x4: {  	s13 =	simm.s32 $0xA400;
	s14 =	simm.s32 $0xB400;
	s15 =	simm.s32 $0xC400  }
0x5: {  	s16 =	simm.s32 $0xD400;
	s17 =	simm.s32 $0xE400;
	s18 =	simm.s32 $0xF400  }
0x6: {  	s19 =	simm.s32 $0x1;
	s20 =	simm.s32 $0x0;
	s4 =	sand.u32 $0x1, s1  }
0x7: {  	s30 =	sshll.u32 s0, $0x1;
	s1 =	rddreg [dreg:$0x2];
	s9 =	smul.u32 $0x32000, s0  }
0x8: {  	[smem:$0x7FF] =	sst s2;
	s5 =	sor.u32 s4, s30;
	s31 =	smul.u32 $0x19000, s4  }
0x9: {  	_ =	strace $0x80000047;
	s7 =	ssub.s32 $0x2, s4;
	s5 =	smul.u32 $0x6400, s5  }
0xa: {  	s8 =	sshrl.u32 s7, $0x1;
	s6 =	sadd.s32 s9, s6;
	s9 =	simm.s32 $0x6400  }
0xb: {  	s7 =	ssub.s32 s7, s8;
	s6 =	sadd.s32 s31, s6;
	s5 =	sshrl.u32 s5, $0x3  }
0xc: {  	s8 =	simm.s32 $0x80;
	s5 =	sadd.s32 s5, s3;
	s3 =	sadd.s32 $0xF42E00, s3  }
0xd: {  	s4 =	sadd.s32 $0xA00, s5;
	s5 =	smax.u32 s7, $0x1;
	s7 =	simm.s32 $0x2  }
.LBB2_1:
0xe: {  	[tilespmem:s2], [sflag:$0x2] =	stream.linear.gather [hbm4b:s4+s2], $0x6400, $0x38;
	[tilespmem:$0x10400] =	vst v63  }
0xf: {  	_ =	swait.ge [sflag:s7], $0x6400  }
0x10: {  	[sflag:s7] =	ssyncset.done $0x0  }
0x11: {  	s21 =	simm.s32 $0x0;
	[sflag:s7] =	ssyncadd.s32 $0xFFFF9C00  }
0x12: {  	[tilespmem:s9], [sflag:$0x1] =	stream.indirect.gather [hbm4b:s3+s8], $0x20, s21, s8, $0xb8;
	[tilespmem:$0x10400] =	vst v63  }
0x13: {  	s31 =	simm.s32 $0x80  }
0x14: {  	[tilespmem:s10], [sflag:$0x1] =	stream.indirect.gather [hbm4b:s3+s8], $0x20, s31, s8, $0xb8;
	[tilespmem:$0x10400] =	vst v63  }
0x15: {  	s22 =	simm.s32 $0x100  }
0x16: {  	[tilespmem:s11], [sflag:$0x1] =	stream.indirect.gather [hbm4b:s3+s8], $0x20, s22, s8, $0xb8;
	[tilespmem:$0x10400] =	vst v63  }
0x17: {  	s23 =	simm.s32 $0x180  }
0x18: {  	[tilespmem:s12], [sflag:$0x1] =	stream.indirect.gather [hbm4b:s3+s8], $0x20, s23, s8, $0xb8;
	[tilespmem:$0x10400] =	vst v63  }
0x19: {  	s24 =	simm.s32 $0x200  }
0x1a: {  	[tilespmem:s13], [sflag:$0x1] =	stream.indirect.gather [hbm4b:s3+s8], $0x20, s24, s8, $0xb8;
	[tilespmem:$0x10400] =	vst v63  }
0x1b: {  	s25 =	simm.s32 $0x280  }
0x1c: {  	[tilespmem:s14], [sflag:$0x1] =	stream.indirect.gather [hbm4b:s3+s8], $0x20, s25, s8, $0xb8;
	[tilespmem:$0x10400] =	vst v63  }
0x1d: {  	s26 =	simm.s32 $0x300  }
0x1e: {  	[tilespmem:s15], [sflag:$0x1] =	stream.indirect.gather [hbm4b:s3+s8], $0x20, s26, s8, $0xb8;
	[tilespmem:$0x10400] =	vst v63  }
0x1f: {  	s28 =	simm.s32 $0x380  }
0x20: {  	[tilespmem:s16], [sflag:$0x1] =	stream.indirect.gather [hbm4b:s3+s8], $0x20, s28, s8, $0xb8;
	[tilespmem:$0x10400] =	vst v63  }
0x21: {  	s29 =	simm.s32 $0x400  }
0x22: {  	[tilespmem:s17], [sflag:$0x1] =	stream.indirect.gather [hbm4b:s3+s8], $0x20, s29, s8, $0xb8;
	[tilespmem:$0x10400] =	vst v63  }
0x23: {  	s30 =	simm.s32 $0x480  }
0x24: {  	[tilespmem:s18], [sflag:$0x1] =	stream.indirect.gather [hbm4b:s3+s8], $0x20, s30, s8, $0xb8;
	[tilespmem:$0x10400] =	vst v63  }
0x25: {  	_ =	swait.ge [sflag:s19], $0x1000  }
0x26: {  	[sflag:s19] =	ssyncset.done $0x0  }
0x27: {  	[sflag:s19] =	ssyncadd.s32 $0xFFFFF000  }
0x28: {  	_ =	swait.ge [sflag:s19], $0x1000  }
0x29: {  	[sflag:s19] =	ssyncset.done $0x0  }
0x2a: {  	[sflag:s19] =	ssyncadd.s32 $0xFFFFF000  }
0x2b: {  	_ =	swait.ge [sflag:s19], $0x1000  }
0x2c: {  	[sflag:s19] =	ssyncset.done $0x0  }
0x2d: {  	[sflag:s19] =	ssyncadd.s32 $0xFFFFF000  }
0x2e: {  	_ =	swait.ge [sflag:s19], $0x1000  }
0x2f: {  	[sflag:s19] =	ssyncset.done $0x0  }
0x30: {  	[sflag:s19] =	ssyncadd.s32 $0xFFFFF000  }
0x31: {  	_ =	swait.ge [sflag:s19], $0x1000  }
0x32: {  	[sflag:s19] =	ssyncset.done $0x0  }
0x33: {  	[sflag:s19] =	ssyncadd.s32 $0xFFFFF000  }
0x34: {  	_ =	swait.ge [sflag:s19], $0x1000  }
0x35: {  	[sflag:s19] =	ssyncset.done $0x0  }
0x36: {  	[sflag:s19] =	ssyncadd.s32 $0xFFFFF000  }
0x37: {  	_ =	swait.ge [sflag:s19], $0x1000  }
0x38: {  	[sflag:s19] =	ssyncset.done $0x0  }
0x39: {  	[sflag:s19] =	ssyncadd.s32 $0xFFFFF000  }
0x3a: {  	_ =	swait.ge [sflag:s19], $0x1000  }
0x3b: {  	[sflag:s19] =	ssyncset.done $0x0  }
0x3c: {  	[sflag:s19] =	ssyncadd.s32 $0xFFFFF000  }
0x3d: {  	_ =	swait.ge [sflag:s19], $0x1000  }
0x3e: {  	[sflag:s19] =	ssyncset.done $0x0  }
0x3f: {  	[sflag:s19] =	ssyncadd.s32 $0xFFFFF000  }
0x40: {  	_ =	swait.ge [sflag:s19], $0x1000  }
0x41: {  	[sflag:s19] =	ssyncset.done $0x0  }
0x42: {  	s31 =	sadd.s32 $0x0, s6;
	[sflag:s19] =	ssyncadd.s32 $0xFFFFF000  }
0x43: {  	[hbm4b:s31+s2] =	stream.linear.scatter [tilespmem:s9], [sflag:$0x2], $0xA000, $0x38;
	[tilespmem:$0x10400] =	vst v63  }
0x44: {  	_ =	swait.ge [sflag:s7], $0xA000  }
0x45: {  	s21 =	simm.s32 $0x1400;
	s24 =	simm.s32 $0x2800;
	[sflag:s7] =	ssyncset.done $0x0  }
.LBB2_2:
0x46: {  	s25 =	sshra.s32 s21, $0x2  }
0x47: {  	[sflag:s7] =	ssyncadd.s32 $0xFFFF6000;
	s23 =	smov.u32 s24;
	s22 =	sadd.s32 $0x1400, s24  }
0x48: {  	[tilespmem:s9], [sflag:$0x1] =	stream.indirect.gather [hbm4b:s3+s8], $0x20, s25, s8, $0xb8;
	[tilespmem:$0x10400] =	vst v63  }
0x49: {  	p0 =	sne.s32 s24, $0x17C00;
	s24 =	sadd.s32 $0x80, s25  }
0x4a: {  	[tilespmem:s10], [sflag:$0x1] =	stream.indirect.gather [hbm4b:s3+s8], $0x20, s24, s8, $0xb8;
	[tilespmem:$0x10400] =	vst v63  }
0x4b: {  	s24 =	sadd.s32 $0x100, s25  }
0x4c: {  	[tilespmem:s11], [sflag:$0x1] =	stream.indirect.gather [hbm4b:s3+s8], $0x20, s24, s8, $0xb8;
	[tilespmem:$0x10400] =	vst v63  }
0x4d: {  	s24 =	sadd.s32 $0x180, s25  }
0x4e: {  	[tilespmem:s12], [sflag:$0x1] =	stream.indirect.gather [hbm4b:s3+s8], $0x20, s24, s8, $0xb8;
	[tilespmem:$0x10400] =	vst v63  }
0x4f: {  	s24 =	sadd.s32 $0x200, s25  }
0x50: {  	[tilespmem:s13], [sflag:$0x1] =	stream.indirect.gather [hbm4b:s3+s8], $0x20, s24, s8, $0xb8;
	[tilespmem:$0x10400] =	vst v63  }
0x51: {  	s24 =	sadd.s32 $0x280, s25  }
0x52: {  	[tilespmem:s14], [sflag:$0x1] =	stream.indirect.gather [hbm4b:s3+s8], $0x20, s24, s8, $0xb8;
	[tilespmem:$0x10400] =	vst v63  }
0x53: {  	s24 =	sadd.s32 $0x300, s25  }
0x54: {  	[tilespmem:s15], [sflag:$0x1] =	stream.indirect.gather [hbm4b:s3+s8], $0x20, s24, s8, $0xb8;
	[tilespmem:$0x10400] =	vst v63  }
0x55: {  	s24 =	sadd.s32 $0x380, s25  }
0x56: {  	[tilespmem:s16], [sflag:$0x1] =	stream.indirect.gather [hbm4b:s3+s8], $0x20, s24, s8, $0xb8;
	[tilespmem:$0x10400] =	vst v63  }
0x57: {  	s24 =	sadd.s32 $0x400, s25  }
0x58: {  	[tilespmem:s17], [sflag:$0x1] =	stream.indirect.gather [hbm4b:s3+s8], $0x20, s24, s8, $0xb8;
	[tilespmem:$0x10400] =	vst v63  }
0x59: {  	s24 =	sadd.s32 $0x480, s25  }
0x5a: {  	[tilespmem:s18], [sflag:$0x1] =	stream.indirect.gather [hbm4b:s3+s8], $0x20, s24, s8, $0xb8;
	[tilespmem:$0x10400] =	vst v63  }
0x5b: {  	_ =	swait.ge [sflag:s19], $0x1000  }
0x5c: {  	[sflag:s19] =	ssyncset.done $0x0  }
0x5d: {  	[sflag:s19] =	ssyncadd.s32 $0xFFFFF000  }
0x5e: {  	_ =	swait.ge [sflag:s19], $0x1000  }
0x5f: {  	[sflag:s19] =	ssyncset.done $0x0  }
0x60: {  	[sflag:s19] =	ssyncadd.s32 $0xFFFFF000  }
0x61: {  	_ =	swait.ge [sflag:s19], $0x1000  }
0x62: {  	[sflag:s19] =	ssyncset.done $0x0  }
0x63: {  	[sflag:s19] =	ssyncadd.s32 $0xFFFFF000  }
0x64: {  	_ =	swait.ge [sflag:s19], $0x1000  }
0x65: {  	[sflag:s19] =	ssyncset.done $0x0  }
0x66: {  	[sflag:s19] =	ssyncadd.s32 $0xFFFFF000  }
0x67: {  	_ =	swait.ge [sflag:s19], $0x1000  }
0x68: {  	[sflag:s19] =	ssyncset.done $0x0  }
0x69: {  	[sflag:s19] =	ssyncadd.s32 $0xFFFFF000  }
0x6a: {  	_ =	swait.ge [sflag:s19], $0x1000  }
0x6b: {  	[sflag:s19] =	ssyncset.done $0x0  }
0x6c: {  	[sflag:s19] =	ssyncadd.s32 $0xFFFFF000  }
0x6d: {  	_ =	swait.ge [sflag:s19], $0x1000  }
0x6e: {  	[sflag:s19] =	ssyncset.done $0x0  }
0x6f: {  	[sflag:s19] =	ssyncadd.s32 $0xFFFFF000  }
0x70: {  	_ =	swait.ge [sflag:s19], $0x1000  }
0x71: {  	[sflag:s19] =	ssyncset.done $0x0  }
0x72: {  	[sflag:s19] =	ssyncadd.s32 $0xFFFFF000  }
0x73: {  	_ =	swait.ge [sflag:s19], $0x1000  }
0x74: {  	[sflag:s19] =	ssyncset.done $0x0  }
0x75: {  	[sflag:s19] =	ssyncadd.s32 $0xFFFFF000  }
0x76: {  	_ =	swait.ge [sflag:s19], $0x1000  }
.Ltmp0:
0x77: {  	[sflag:s19] =	ssyncset.done $0x0;
	(pc) =	sbr.rel @p0 .LBB2_2-.Ltmp0, $4  }
0x78: {  	s24 =	sadd.s32 s21, s6;
	s21 =	smov.u32 s23;
	[sflag:s19] =	ssyncadd.s32 $0xFFFFF000  }
0x79: {  	[hbm4b:s24+s2] =	stream.linear.scatter [tilespmem:s9], [sflag:$0x2], $0xA000, $0x38;
	[tilespmem:$0x10400] =	vst v63  }
0x7a: {  	_ =	swait.ge [sflag:s7], $0xA000  }
0x7b: {  	s24 =	smov.u32 s22;
	[sflag:s7] =	ssyncset.done $0x0  }
0x7c: {  	s22 =	sshra.s32 s21, $0x2;
	[sflag:s7] =	ssyncadd.s32 $0xFFFF6000  }
0x7d: {  	[tilespmem:s9], [sflag:$0x1] =	stream.indirect.gather [hbm4b:s3+s8], $0x20, s22, s8, $0xb8;
	[tilespmem:$0x10400] =	vst v63  }
0x7e: {  	s23 =	sadd.s32 $0x80, s22  }
0x7f: {  	[tilespmem:s10], [sflag:$0x1] =	stream.indirect.gather [hbm4b:s3+s8], $0x20, s23, s8, $0xb8;
	[tilespmem:$0x10400] =	vst v63  }
0x80: {  	s31 =	sadd.s32 $0x100, s22  }
0x81: {  	[tilespmem:s11], [sflag:$0x1] =	stream.indirect.gather [hbm4b:s3+s8], $0x20, s31, s8, $0xb8;
	[tilespmem:$0x10400] =	vst v63  }
0x82: {  	s24 =	sadd.s32 $0x180, s22  }
0x83: {  	[tilespmem:s12], [sflag:$0x1] =	stream.indirect.gather [hbm4b:s3+s8], $0x20, s24, s8, $0xb8;
	[tilespmem:$0x10400] =	vst v63  }
0x84: {  	s25 =	sadd.s32 $0x200, s22  }
0x85: {  	[tilespmem:s13], [sflag:$0x1] =	stream.indirect.gather [hbm4b:s3+s8], $0x20, s25, s8, $0xb8;
	[tilespmem:$0x10400] =	vst v63  }
0x86: {  	s26 =	sadd.s32 $0x280, s22  }
0x87: {  	[tilespmem:s14], [sflag:$0x1] =	stream.indirect.gather [hbm4b:s3+s8], $0x20, s26, s8, $0xb8;
	[tilespmem:$0x10400] =	vst v63  }
0x88: {  	s28 =	sadd.s32 $0x300, s22  }
0x89: {  	[tilespmem:s15], [sflag:$0x1] =	stream.indirect.gather [hbm4b:s3+s8], $0x20, s28, s8, $0xb8;
	[tilespmem:$0x10400] =	vst v63  }
0x8a: {  	s29 =	sadd.s32 $0x380, s22  }
0x8b: {  	[tilespmem:s16], [sflag:$0x1] =	stream.indirect.gather [hbm4b:s3+s8], $0x20, s29, s8, $0xb8;
	[tilespmem:$0x10400] =	vst v63  }
0x8c: {  	s30 =	sadd.s32 $0x400, s22  }
0x8d: {  	[tilespmem:s17], [sflag:$0x1] =	stream.indirect.gather [hbm4b:s3+s8], $0x20, s30, s8, $0xb8;
	[tilespmem:$0x10400] =	vst v63  }
0x8e: {  	s22 =	sadd.s32 $0x480, s22  }
0x8f: {  	[tilespmem:s18], [sflag:$0x1] =	stream.indirect.gather [hbm4b:s3+s8], $0x20, s22, s8, $0xb8;
	[tilespmem:$0x10400] =	vst v63  }
0x90: {  	_ =	swait.ge [sflag:s19], $0x1000  }
0x91: {  	[sflag:s19] =	ssyncset.done $0x0  }
0x92: {  	[sflag:s19] =	ssyncadd.s32 $0xFFFFF000  }
0x93: {  	_ =	swait.ge [sflag:s19], $0x1000  }
0x94: {  	[sflag:s19] =	ssyncset.done $0x0  }
0x95: {  	[sflag:s19] =	ssyncadd.s32 $0xFFFFF000  }
0x96: {  	_ =	swait.ge [sflag:s19], $0x1000  }
0x97: {  	[sflag:s19] =	ssyncset.done $0x0  }
0x98: {  	[sflag:s19] =	ssyncadd.s32 $0xFFFFF000  }
0x99: {  	_ =	swait.ge [sflag:s19], $0x1000  }
0x9a: {  	[sflag:s19] =	ssyncset.done $0x0  }
0x9b: {  	[sflag:s19] =	ssyncadd.s32 $0xFFFFF000  }
0x9c: {  	_ =	swait.ge [sflag:s19], $0x1000  }
0x9d: {  	[sflag:s19] =	ssyncset.done $0x0  }
0x9e: {  	[sflag:s19] =	ssyncadd.s32 $0xFFFFF000  }
0x9f: {  	_ =	swait.ge [sflag:s19], $0x1000  }
0xa0: {  	[sflag:s19] =	ssyncset.done $0x0  }
0xa1: {  	[sflag:s19] =	ssyncadd.s32 $0xFFFFF000  }
0xa2: {  	_ =	swait.ge [sflag:s19], $0x1000  }
0xa3: {  	[sflag:s19] =	ssyncset.done $0x0  }
0xa4: {  	[sflag:s19] =	ssyncadd.s32 $0xFFFFF000  }
0xa5: {  	_ =	swait.ge [sflag:s19], $0x1000  }
0xa6: {  	[sflag:s19] =	ssyncset.done $0x0  }
0xa7: {  	[sflag:s19] =	ssyncadd.s32 $0xFFFFF000  }
0xa8: {  	_ =	swait.ge [sflag:s19], $0x1000  }
0xa9: {  	[sflag:s19] =	ssyncset.done $0x0  }
0xaa: {  	[sflag:s19] =	ssyncadd.s32 $0xFFFFF000  }
0xab: {  	s20 =	sadd.s32 $0x1, s20;
	_ =	swait.ge [sflag:s19], $0x1000  }
0xac: {  	p0 =	sne.s32 s20, s5;
	[sflag:s19] =	ssyncset.done $0x0  }
.Ltmp1:
0xad: {  	s31 =	sadd.s32 s21, s6;
	[sflag:s19] =	ssyncadd.s32 $0xFFFFF000;
	(pc) =	sbr.rel @p0 .LBB2_1-.Ltmp1, $4  }
0xae: {  	[hbm4b:s31+s2] =	stream.linear.scatter [tilespmem:s9], [sflag:$0x2], $0xA000, $0x38;
	[tilespmem:$0x10400] =	vst v63  }
0xaf: {  	_ =	swait.ge [sflag:s7], $0xA000  }
0xb0: {  	[sflag:s7] =	ssyncset.done $0x0  }
0xb1: {  	[sflag:s7] =	ssyncadd.s32 $0xFFFF6000  }
0xb2: {  	_ =	sfence.sel $0x180000  }
0xb3: {  	[bflag:$0x0] =	sbarrier.arrive $0xFFFF  }
0xb4: {  	p0 =	sne.s32 s0, $0x0;
	_ =	strace $0x90000047  }
0xb5: {  	s0 =	sadd.s32 @!p0 $0x100000, s1;
	[bflag:$0x2] =	sbarrier.arrive $0xFFFF  }
0xb6: {  	[sflag:s0] =	ssyncadd.tile.s32 @!p0 $0x1;
	_ =	shalt  }
.Lfunc_end2:
_tile_overlayer_lowered:
.L_overlay_start_2:
0xb7: {  	(tag) =	ssettag $0x2  }
0xb8: {  	s0 =	rddreg [dreg:$0x0];
	s2 =	stileid.u32  }
0xb9: {  	s1 =	rddreg [dreg:$0x1];
	p0 =	sne.s32 s2, $0x0  }
0xba: {  	s3 =	rddreg [dreg:$0x2];
	[bflag:$0x3] =	sbarrier.arrive $0xFFFF;
	s2 =	simm.s32 @!p0 $0x1C02  }
0xbb: {  	[timem:s3], [sflag:s2] =	dma.local @!p0 [hbm:s0], s1  }
0xbc: {  	s0 =	simm.s32 @!p0 $0x2  }
0xbd: {  	_ =	swait.ge @!p0 [sflag:s0], s1  }
0xbe: {  	s1 =	ssub.s32 @!p0 $0x0, s1;
	[sflag:s0] =	ssyncset.done @!p0 $0x0  }
0xbf: {  	[sflag:s0] =	ssyncadd.s32 @!p0 s1  }
0xc0: {  	[bflag:$0x3] =	sbarrier.arrive $0xFFFF  }
0xc1: {  	_ =	shalt  }

// kernel: sparse-core-data-format-call.cloned.1.call-start
scs
called_computation_lowered:
.L_overlay_start_0:
0x0: {  	s2 =	sld [smem:$0x3FD9]  }
0x1: {  	s3 =	sld [smem:$0x3FFE];
	_ =	sdelay $0x1  }
0x2: {  	s1 =	srdreg.scid  }
0x3: {  	s0 =	sand.u32 $0x1, s1  }
0x4: {  	s18 =	sshll.u32 s0, $0xA;
	s2 =	sadd.s32 s3, s2  }
0x5: {  	s2 =	sadd.s32 s2, s18  }
0x6: {  	[smem:$0x3FC6] =	sst s2  }
0x7: {  	_ = 	snop  }
0x8: {  	s2 =	sld [smem:$0x3FD0];
	(tm) =	ssettm $0x1  }
0x9: {  	s19 =	sld [smem:$0x3FFB];
	_ =	sdelay $0x3  }
0xa: {  	_ =	strace s19  }
0xb: {  	s3 =	sld [smem:$0x3FFC];
	_ =	sdelay $0x3  }
0xc: {  	_ =	strace s3  }
0xd: {  	s3 =	sld [smem:$0x3FFD];
	_ =	sdelay $0x3  }
0xe: {  	_ =	strace s3  }
0xf: {  	_ =	strace $0x8FFFFFFF  }
0x10: {  	s20 =	sld [smem:$0x3FDB];
	_ =	sdelay $0x1  }
0x11: {  	s4 =	simm.s32 $_scs_section_size  }
0x12: {  	s5 =	simm.s32 $_size__tile_overlayer_lowered;
	s6 =	simm.s32 $_tile_overlayer_lowered  }
0x13: {  	s23 =	simm.s32 $0x1BFF;
	s22 =	sshll.u32 s6, $0x1;
	s3 =	sadd.s32 s4, s20  }
0x14: {  	s7 =	simm.s32 $0x0;
	s21 =	sshll.u32 s5, $0x1;
	s5 =	sadd.s32 s22, s3  }
0x15: {  	[timem:s7], [sflag:s23] =	dma.local [hbm:s5], s21  }
0x16: {  	_ =	swait.ge [sflag:s23], s21  }
0x17: {  	s4 =	ssub.s32 $0x0, s21;
	[sflag:s23] =	ssyncset.done $0x0  }
0x18: {  	[sflag:s23] =	ssyncadd.s32 s4;
	_ =	sdelay $0x1  }
0x19: {  	s24 =	simm.s32 $0x1B8B  }
0x1a: {  	_ =	swait.ge [sflag:s24], $0x1  }
0x1b: {  	[sflag:s24] =	ssyncset.done $0x0  }
0x1c: {  	s26 =	simm.s32 $0x1B8E;
	s25 =	sld [smem:$0x3FFE];
	[sflag:s24] =	ssyncadd.s32 $0xFFFFFFFF  }
0x1d: {  	s27 =	simm.s32 $execute0_lowered;
	[smem:$0x3FD2] =	sst s26  }
0x1e: {  	s5 =	sshll.u32 s27, $0x1;
	_ =	strace $0x80000049;
	[dreg:$0x1] =	wrdreg $0xFFFFFFFF  }
0x1f: {  	s28 =	simm.s32 $_size_execute0_lowered;
	s3 =	sadd.s32 s3, s5;
	[dreg:$0x0] =	wrdreg $0x0  }
0x20: {  	s5 =	sshll.u32 s28, $0x1;
	[dreg:$0x2] =	wrdreg s3  }
0x21: {  	[dreg:$0x3] =	wrdreg s5  }
0x22: {  	[dreg:$0x4] =	wrdreg $0xC0  }
0x23: {  	_ =	task [dreg:s7], $0x5FFFF  }
0x24: {  	[dreg:$0x1] =	wrdreg $0xFFFFFFFF  }
0x25: {  	[dreg:$0x0] =	wrdreg $0x60  }
0x26: {  	[dreg:$0x2] =	wrdreg s25  }
0x27: {  	[dreg:$0x3] =	wrdreg s2  }
0x28: {  	[dreg:$0x4] =	wrdreg $0x9  }
0x29: {  	_ =	task.clear_ibuf [dreg:s7], $0x5FFFF;
	_ =	strace $0x90000049  }
0x2a: {  	s29 =	simm.s32 $0x9;
	_ =	strace $0x8000004B  }
0x2b: {  	_ =	swait.ge [sflag:s29], $0x1  }
0x2c: {  	[sflag:s29] =	ssyncadd.s32 $0xFFFFFFFF  }
0x2d: {  	_ =	strace $0x9000004B  }
0x2e: {  	_ =	sfence  }
0x2f: {  	s30 =	sld [smem:$0x0];
	_ =	sdelay $0x2  }
0x30: {  	s31 =	sshll.u32 s1, $0xD;
	s1 =	sshrl.u32 s1, $0x2  }
0x31: {  	s3 =	sand.u32 $0x4000, s31;
	s1 =	sadd.s32 s1, s30  }
0x32: {  	s0 =	sor.u32 s3, s0;
	s1 =	sshll.u32 s1, $0x11  }
0x33: {  	s0 =	sor.u32 s1, s0  }
0x34: {  	s0 =	sadd.s32 $0x8F2B, s0  }
0x35: {  	[sflag:s0] =	ssyncadd.remote.s32 $0x1  }
0x36: {  	_ =	sfence.sel $0xFFFF  }
0x37: {  	[dreg:$0x0] =	wrdreg $0xFFFFFFFF;
	(pc) =	sbr.abs _section_cstart, $3  }
0x38: {  	[dreg:$0x1] =	wrdreg $0xFFFFFFFF  }
0x39: {  	_ =	task.clear_ibuf [dreg:s7], $0x2FFFF;
	_ =	strace $0x9FFFFFFF  }
0x3a: {  	(tm) =	ssettm $0x7FFFFFFF  }
0x3b: {  	_ =	shalt  }
tec
execute0_lowered:
.L_overlay_start_1:
0x0: {  	(tag) =	ssettag $0x1  }
0x1: {  	s0 =	srdreg.scid  }
0x2: {  	s1 =	sshll.u32 s0, $0x4  }
0x3: {  	s0 =	stileid.u32;
	s1 =	sand.u32 $0x10, s1  }
0x4: {  	s1 =	sor.u32 s0, s1  }
0x5: {  	s6 =	rddreg [dreg:$0x0];
	s4 =	simm.s32 $0x1;
	s2 =	sshll.u32 s1, $0x7  }
0x6: {  	s7 =	simm.s32 $0x2;
	s12 =	simm.s32 $0x0;
	s1 =	ssub.s32 $0x1000, s2  }
0x7: {  	s8 =	simm.s32 $0x8000;
	s13 =	simm.s32 $0x0;
	s3 =	sand.u32 $0xF80, s1  }
0x8: {  	s9 =	simm.s32 $0x0;
	s5 =	sshrl.u32 s1, $0xC;
	p0 =	sne.s32 s3, $0x0  }
.Ltmp0:
0x9: {  	s1 =	rddreg [dreg:$0x2];
	s4 =	simm.s32 @!p0 $0x0;
	(pc) =	sbr.rel .LBB1_1-.Ltmp0, $4  }
0xa: {  	s11 =	simm.s32 $0x0;
	s3 =	rddreg [dreg:$0x1];
	s5 =	sadd.s32 s4, s5  }
0xb: {  	_ =	strace $0x8000004A;
	s4 =	simm.s32 $0x1;
	s5 =	smul.u32 $0xC8, s5  }
0xc: {  	s6 =	sadd.s32 $0xA00, s6;
	s10 =	smov.u32 s2;
	[sflag:s4] =	ssyncpa.u1 $0x0  }
0xd: {  	p0 =	por $0x0, $0x0;
	[sflag:s7] =	ssyncpa.u1 $0x0;
	s7 =	sor.u32 $0x1, s5  }
.LBB1_4:
0xe: {  	s16 =	sshll.u32 s13, $0x3;
	s17 =	sand.u32 $0x78, s13  }
0xf: {  	s30 =	sand.u32 $0x3E00, s13;
	s12 =	sshll.u32 s12, $0xE;
	s16 =	sand.u32 $0xC00, s16  }
0x10: {  	s31 =	sand.u32 $0x7, s13;
	s16 =	sor.u32 s17, s16;
	s17 =	sadd.s32 s3, s30  }
0x11: {  	s13 =	sshll.u32 s31, $0x12;
	s16 =	sshrl.u32 s16, $0x3;
	s12 =	sadd.s32 s12, s17  }
0x12: {  	[tilespmem:s15+$0x0 ss:$0x81] =	vst.msk $0xffff, v0;
	s13 =	sor.u32 $0x400, s13;
	s12 =	sadd.s32 s16, s12  }
0x13: {  	[hbm4b:s12+s13] =	stream.strided.scatter [tilespmem:s14], [sflag:$0x2], $0x1000, s8, s13, $0x20;
	[tilespmem:$0x4040] =	vst v63  }
.LBB1_5:
0x14: {  	s14 =	sadd.s32 $0x1, s9  }
0x15: {  	s12 =	sadd.s32 $0x1000, s10;
	s16 =	smov.u32 s10;
	p2 =	sgt.s32 s14, $0xC7  }
0x16: {  	s16 =	smov.u32 @p2 s12  }
0x17: {  	s14 =	simm.s32 @p2 $0x0;
	p2 =	sgt.s32 s16, $0xFFF  }
0x18: {  	s16 =	smov.u32 @p2 s2;
	p2 =	sne.s32 s11, s7  }
.Ltmp1:
0x19: {  	p1 =	slt.u32 s11, $0x2;
	(pc) =	sbr.rel @!p2 .LBB1_6-.Ltmp1, $4  }
0x1a: {  	s15 =	simm.s32 @!p1 $0x2  }
0x1b: {  	s13 =	smov.u32 s10;
	p0 =	por !p0, !p0;
	_ =	swait.ge @!p1 [sflag:s15], $0x1000  }
0x1c: {  	s12 =	smov.u32 s9;
	[sflag:s15] =	ssyncset.done @!p1 $0x0;
	s9 =	smov.u32 s14  }
0x1d: {  	s11 =	sadd.s32 $0x1, s11;
	[sflag:s15] =	ssyncadd.s32 @!p1 $0xFFFFF000;
	s10 =	smov.u32 s16  }
.LBB1_1:
0x1e: {  	p1 =	sge.u32 s11, s5  }
0x1f: {  	s14 =	sand.u32 @!p1 $0x1FFFFFF, s9  }
0x20: {  	s15 =	smulhi.u32 @!p1 $0x147AE15, s14;
	_ =	sdelay $0x1  }
0x21: {  	s15 =	smul.u32 @!p1 $0xC8, s15  }
0x22: {  	s16 =	sxor.u32 @!p1 $0xFFFFFFFF, s11;
	s17 =	smul.u32 @!p1 $0xC80, s10  }
0x23: {  	s31 =	sadd.s32 $0xFFFFFFFF, s11;
	s16 =	sshll.u32 @!p1 s16, $0xC;
	s14 =	ssub.s32 @!p1 s14, s15  }
0x24: {  	s15 =	sand.u32 @!p1 $0x1000, s16;
	s16 =	sadd.s32 @!p1 s6, s17;
	s14 =	sshll.u32 @!p1 s14, $0x4  }
0x25: {  	s17 =	simm.s32 @!p1 $0x6400;
	s14 =	sadd.s32 @!p1 s14, s16;
	s16 =	simm.s32 @!p1 $0x20  }
0x26: {  	[tilespmem:s15], [sflag:$0x1] =	stream.strided.gather @!p1 [hbm4b:s14+s16], $0x1000, s17, s16, $0x38;
	[tilespmem:$0x4040] =	vst v63  }
0x27: {  	p1 =	sge.u32 s31, s5  }
.Ltmp2:
0x28: {  	_ = 	snop;
	(pc) =	sbr.rel @p1 .LBB1_5-.Ltmp2, $1  }
0x29: {  	_ =	sdelay $0x3  }
0x2a: {  	s14 =	simm.s32 $0x1  }
0x2b: {  	_ =	swait.ge [sflag:s4], $0x1000;
	s14 =	simm.s32 @!p0 $0x0  }
0x2c: {  	[sflag:s4] =	ssyncset.done $0x0;
	s15 =	sshll.u32 s14, $0xC  }
0x2d: {  	[sflag:s4] =	ssyncadd.s32 $0xFFFFF000;
	s18 =	sor.u32 $0x10, s15  }
0x2e: {  	s14 =	smul.u32 $0x4080, s14;
	v1 =	vld [tilespmem:s18+$0x0]  }
0x2f: {  	s30 =	sand.u32 $0x1, s11;
	v0 =	vld [tilespmem:s18+$0xFFFFFFF0]  }
0x30: {  	s15 =	smul.u32 $0x4080, s30;
	s14 =	sshrl.u32 s14, $0x2  }
0x31: {  	s16 =	sor.u32 $0x2000, s14  }
0x32: {  	s31 =	sshrl.u32 s15, $0x2;
	s15 =	sadd.s32 $0x0, s16  }
0x33: {  	s17 =	simm.s32 $0x4;
	s18 =	sadd.s32 $0x20, s18;
	s14 =	sor.u32 $0x2000, s31;
	[tilespmem:s15+$0x810 ss:$0x81] =	vst.msk $0xffff, v1  }
.LBB1_3:
0x34: {  	v1 =	vld [tilespmem:s18+$0x0];
	p1 =	sne.s32 s17, $0x1FC;
	[tilespmem:s15+$0x0 ss:$0x81] =	vst.msk $0xffff, v0;
	s15 =	smov.u32 s17;
	s17 =	sadd.s32 $0x4, s17  }
.Ltmp3:
0x35: {  	v0 =	vld [tilespmem:s18+$0xFFFFFFF0];
	(pc) =	sbr.rel @p1 .LBB1_3-.Ltmp3, $4  }
0x36: {  	_ = 	snop  }
0x37: {  	s15 =	sshra.s32 s15, $0x2  }
0x38: {  	s15 =	sadd.s32 s15, s16  }
0x39: {  	s18 =	sadd.s32 $0x20, s18;
	[tilespmem:s15+$0x810 ss:$0x81] =	vst.msk $0xffff, v1  }
.Ltmp4:
0x3a: {  	_ = 	snop;
	(pc) =	sbr.rel .LBB1_4-.Ltmp4, $1  }
0x3b: {  	_ =	sdelay $0x3  }
.LBB1_6:
0x3c: {  	_ =	sfence.sel $0x180000  }
0x3d: {  	s2 =	simm.s32 $0x1;
	[bflag:$0x0] =	sbarrier.arrive $0xFFFF  }
0x3e: {  	s31 =	simm.s32 $0x2;
	[sflag:s2] =	ssyncpa.u1 $0x1  }
0x3f: {  	[sflag:s31] =	ssyncpa.u1 $0x1  }
0x40: {  	p0 =	sne.s32 s0, $0x0;
	_ =	strace $0x9000004A  }
0x41: {  	s0 =	sadd.s32 @!p0 $0x100000, s1;
	[bflag:$0x2] =	sbarrier.arrive $0xFFFF  }
0x42: {  	[sflag:s0] =	ssyncadd.tile.s32 @!p0 $0x1;
	_ =	shalt  }
.Lfunc_end1:
_tile_overlayer_lowered:
.L_overlay_start_2:
0x43: {  	(tag) =	ssettag $0x2  }
0x44: {  	s0 =	rddreg [dreg:$0x0];
	s2 =	stileid.u32  }
0x45: {  	s1 =	rddreg [dreg:$0x1];
	p0 =	sne.s32 s2, $0x0  }
0x46: {  	s3 =	rddreg [dreg:$0x2];
	[bflag:$0x3] =	sbarrier.arrive $0xFFFF;
	s2 =	simm.s32 @!p0 $0x1C01  }
0x47: {  	[timem:s3], [sflag:s2] =	dma.local @!p0 [hbm:s0], s1  }
0x48: {  	s0 =	simm.s32 @!p0 $0x1  }
0x49: {  	_ =	swait.ge @!p0 [sflag:s0], s1  }
0x4a: {  	s1 =	ssub.s32 @!p0 $0x0, s1;
	[sflag:s0] =	ssyncset.done @!p0 $0x0  }
0x4b: {  	[sflag:s0] =	ssyncadd.s32 @!p0 s1  }
0x4c: {  	[bflag:$0x3] =	sbarrier.arrive $0xFFFF  }
0x4d: {  	_ =	shalt  }

</sc_bundles>
